<compile_context>
chip_gen: v7x
topology: tpu7x:2x2x1
jax: 0.10.2.dev20260603
libtpu: 0.0.44.dev20260713+nightly
codegen_flags: <defaults>
</compile_context>

<pallas_src>
import jax
import jax.numpy as jnp
from jax import lax
from jax.experimental import pallas as pl
from jax.experimental.pallas import tpu as pltpu
from jax.experimental.pallas import tpu_sc as plsc

NUM_FIELDS = 26
VOCAB = 100000
D_MODEL = 32
BATCH = 4096
LO = 49920
HI = VOCAB - LO

NC = 2
NS = 16
NW = NC * NS


def _body(xt_hbm, tab_hbm, bias_hbm, out_hbm, xbuf, tlo, thi, obuf, biasv,
          sem_lo, sem_hi, sem_x, sem_o):
    w = lax.axis_index("s") * NC + lax.axis_index("c")
    pltpu.sync_copy(bias_hbm, biasv)

    def row(f):
        return f * D_MODEL + w

    def start_lo(f, buf):
        pltpu.make_async_copy(
            tab_hbm.at[row(f)].at[pl.ds(0, LO)], buf, sem_lo).start()

    def start_hi(f, buf):
        pltpu.make_async_copy(
            tab_hbm.at[row(f)].at[pl.ds(LO, HI)], buf, sem_hi).start()

    def start_x(f, p):
        pltpu.make_async_copy(xt_hbm.at[f], xbuf.at[p], sem_x).start()

    start_lo(0, tlo)
    start_x(0, 0)
    start_hi(0, thi)

    def fbody(f, _):
        p = f % 2
        bias_v = plsc.load_gather(
            biasv, [jnp.full((16,), f * D_MODEL, jnp.int32) + w])

        pltpu.make_async_copy(xt_hbm.at[f], xbuf.at[p], sem_x).wait()

        @pl.when(f >= 2)
        def _():
            pltpu.make_async_copy(obuf.at[p], out_hbm.at[row(f)], sem_o).wait()

        pltpu.make_async_copy(
            tab_hbm.at[row(f)].at[pl.ds(0, LO)], tlo, sem_lo).wait()

        @pl.when(f + 1 < NUM_FIELDS)
        def _():
            start_x(f + 1, 1 - p)

        def pass_lo(i, _):
            idx = xbuf[p, pl.ds(i * 16, 16)]
            v = plsc.load_gather(tlo, [jnp.minimum(idx, LO - 1)])
            obuf[p, pl.ds(i * 16, 16)] = jnp.where(idx < LO, v, 0.0)
            return 0

        lax.fori_loop(0, BATCH // 16, pass_lo, 0)

        @pl.when(f + 1 < NUM_FIELDS)
        def _():
            start_lo(f + 1, tlo)

        pltpu.make_async_copy(
            tab_hbm.at[row(f)].at[pl.ds(LO, HI)], thi, sem_hi).wait()

        def pass_hi(i, _):
            sl = pl.ds(i * 16, 16)
            idx = xbuf[p, sl]
            ih = jnp.minimum(jnp.maximum(idx - LO, 0), HI - 1)
            v = plsc.load_gather(thi, [ih])
            obuf[p, sl] = obuf[p, sl] + jnp.where(idx >= LO, v, 0.0) + bias_v
            return 0

        lax.fori_loop(0, BATCH // 16, pass_hi, 0)

        @pl.when(f + 1 < NUM_FIELDS)
        def _():
            start_hi(f + 1, thi)

        pltpu.make_async_copy(obuf.at[p], out_hbm.at[row(f)], sem_o).start()
        return 0

    lax.fori_loop(0, NUM_FIELDS, fbody, 0)

    pltpu.make_async_copy(
        obuf.at[0], out_hbm.at[row(NUM_FIELDS - 2)], sem_o).wait()
    pltpu.make_async_copy(
        obuf.at[1], out_hbm.at[row(NUM_FIELDS - 1)], sem_o).wait()


@jax.jit
def _run(xt, tab2d, bias_flat):
    mesh = plsc.VectorSubcoreMesh(core_axis_name="c", subcore_axis_name="s")
    return pl.kernel(
        _body,
        mesh=mesh,
        compiler_params=pltpu.CompilerParams(needs_layout_passes=False),
        out_type=jax.ShapeDtypeStruct((NUM_FIELDS * D_MODEL, BATCH), jnp.float32),
        scratch_types=[
            pltpu.VMEM((2, BATCH), jnp.int32),
            pltpu.VMEM((LO,), jnp.float32),
            pltpu.VMEM((HI,), jnp.float32),
            pltpu.VMEM((2, BATCH), jnp.float32),
            pltpu.VMEM((NUM_FIELDS * D_MODEL,), jnp.float32),
            pltpu.SemaphoreType.DMA,
            pltpu.SemaphoreType.DMA,
            pltpu.SemaphoreType.DMA,
            pltpu.SemaphoreType.DMA,
        ],
    )(xt, tab2d, bias_flat)


def kernel(x, tables, biases):
    xt = x.astype(jnp.int32).T
    tab2d = jnp.transpose(tables, (0, 2, 1)).reshape(
        NUM_FIELDS * D_MODEL, VOCAB)
    out2d = _run(xt, tab2d, biases.reshape(NUM_FIELDS * D_MODEL))
    return out2d.reshape(NUM_FIELDS, D_MODEL, BATCH).transpose(2, 0, 1)

# --- scband reference (transcript-rebuilt; emitter-appended) ---
"""Pipeline reference for scband-categorical-embedding-12369505812611 (READ-ONLY COPY).

The authoritative reference and input builder live on the scoring server;
editing this copy changes nothing except your own understanding.
"""

import jax, jax.numpy as jnp
import numpy as np

NUM_FIELDS = 26
VOCAB = 100000
D_MODEL = 32
BATCH = 4096

def setup_inputs(seed: int = 0) -> dict:
    key = jax.random.key(seed)
    k_x, k_t = jax.random.split(key)
    x = jax.random.randint(k_x, (BATCH, NUM_FIELDS), 0, VOCAB, dtype=jnp.int64 if jax.config.jax_enable_x64 else jnp.int32)
    # per-feature embedding tables, init std=0.02 (all vocabs equal -> stacked)
    tables = jax.random.normal(k_t, (NUM_FIELDS, VOCAB, D_MODEL), dtype=jnp.float32) * 0.02
    biases = jnp.zeros((NUM_FIELDS, D_MODEL), dtype=jnp.float32)
    return {"x": x, "tables": tables, "biases": biases}

def reference(x, tables, biases):
    # x: [B, F] int; tables: [F, V, D]; biases: [F, D]
    # per-field embedding lookup: out[b, f] = tables[f, x[b, f]] + biases[f]
    field_idx = jnp.arange(NUM_FIELDS)[None, :]  # [1, F]
    gathered = tables[field_idx, x]              # [B, F, D] via gather
    out = gathered + biases[None, :, :]
    return out

if __name__ == "__main__":
    import jax
    _d = setup_inputs()
    print(jax.jit(kernel)(*tuple(_d.values())))

</pallas_src>

<mosaic_0001>
#map = affine_map<(d0, d1) -> (0, 0)>
#map1 = affine_map<(d0, d1) -> (0)>
module attributes {stable_mosaic.version = 14 : i64} {
  func.func @_body(%arg0: i32, %arg1: i32, %arg2: memref<26x4096xi32, #tpu.memory_space<hbm>>, %arg3: memref<832x100000xf32, #tpu.memory_space<hbm>>, %arg4: memref<832xf32, #tpu.memory_space<hbm>>, %arg5: memref<832x4096xf32, #tpu.memory_space<hbm>>, %arg6: memref<2x4096xi32, #tpu.memory_space<vmem>>, %arg7: memref<49920xf32, #tpu.memory_space<vmem>>, %arg8: memref<50080xf32, #tpu.memory_space<vmem>>, %arg9: memref<2x4096xf32, #tpu.memory_space<vmem>>, %arg10: memref<832xf32, #tpu.memory_space<vmem>>, %arg11: memref<!tpu.dma_semaphore, #tpu.memory_space<semaphore_mem>>, %arg12: memref<!tpu.dma_semaphore, #tpu.memory_space<semaphore_mem>>, %arg13: memref<!tpu.dma_semaphore, #tpu.memory_space<semaphore_mem>>, %arg14: memref<!tpu.dma_semaphore, #tpu.memory_space<semaphore_mem>>) attributes {dimension_semantics = [#tpu.dimension_semantics<core_parallel>, #tpu.dimension_semantics<subcore_parallel>], iteration_bounds = array<i64: 2, 16>, scalar_prefetch = 0 : i64, scratch_operands = 9 : i64, tpu.core_type = #tpu.core_type<sc_vector_subcore>, window_params = [{transform_indices = #map}, {transform_indices = #map}, {transform_indices = #map1}, {transform_indices = #map}]} {
    %mul3A = arith.constant 2 : i32
    %mul3A_0 = arith.muli %arg1, %mul3A : i32
    %add3A = arith.addi %mul3A_0, %arg0 : i32
    "tpu.region"() ({
      %run_scoped3A = tpu.sem_alloc : memref<!tpu.dma_semaphore, #tpu.memory_space<semaphore_mem>>
      tpu.enqueue_dma source(%arg4 : memref<832xf32, #tpu.memory_space<hbm>>) target(%arg10 : memref<832xf32, #tpu.memory_space<vmem>>) target_semaphore(%run_scoped3A : memref<!tpu.dma_semaphore, #tpu.memory_space<semaphore_mem>>)
      tpu.wait_dma2 semaphore(%run_scoped3A : memref<!tpu.dma_semaphore, #tpu.memory_space<semaphore_mem>>) src(%arg4 : memref<832xf32, #tpu.memory_space<hbm>>) dst(%arg10 : memref<832xf32, #tpu.memory_space<vmem>>)
      tpu.yield
    }) : () -> ()
    %add3A_1 = arith.constant 0 : i32
    %add3A_2 = arith.addi %add3A_1, %add3A : i32
    %dma_start3A = arith.constant 0 : i32
    %dma_start3A_3 = tpu.memref_slice %arg3[%add3A_2, %dma_start3A] : memref<832x100000xf32, #tpu.memory_space<hbm>> -> memref<1x100000xf32, #tpu.memory_space<hbm>>
    %dma_start3A_4 = tpu.memref_squeeze %dma_start3A_3 : memref<1x100000xf32, #tpu.memory_space<hbm>> -> memref<100000xf32, #tpu.memory_space<hbm>>
    %dma_start3A_5 = arith.constant 0 : i32
    %dma_start3A_6 = tpu.memref_slice %dma_start3A_4[%dma_start3A_5] : memref<100000xf32, #tpu.memory_space<hbm>> -> memref<49920xf32, #tpu.memory_space<hbm>>
    %dma_start3A_7 = arith.constant 0 : i32
    %dma_start3A_8 = tpu.memref_slice %arg3[%add3A_2, %dma_start3A_7] : memref<832x100000xf32, #tpu.memory_space<hbm>> -> memref<1x100000xf32, #tpu.memory_space<hbm>>
    %dma_start3A_9 = tpu.memref_squeeze %dma_start3A_8 : memref<1x100000xf32, #tpu.memory_space<hbm>> -> memref<100000xf32, #tpu.memory_space<hbm>>
    %dma_start3A_10 = arith.constant 0 : i32
    %dma_start3A_11 = tpu.memref_slice %dma_start3A_9[%dma_start3A_10] : memref<100000xf32, #tpu.memory_space<hbm>> -> memref<49920xf32, #tpu.memory_space<hbm>>
    tpu.enqueue_dma source(%dma_start3A_11 : memref<49920xf32, #tpu.memory_space<hbm>>) target(%arg7 : memref<49920xf32, #tpu.memory_space<vmem>>) target_semaphore(%arg11 : memref<!tpu.dma_semaphore, #tpu.memory_space<semaphore_mem>>)
    %dma_start3A_12 = arith.constant 0 : i32
    %dma_start3A_13 = arith.constant 0 : i32
    %dma_start3A_14 = arith.constant 0 : i32
    %dma_start3A_15 = tpu.memref_slice %arg6[%dma_start3A_13, %dma_start3A_14] : memref<2x4096xi32, #tpu.memory_space<vmem>> -> memref<1x4096xi32, #tpu.memory_space<vmem>>
    %dma_start3A_16 = tpu.memref_squeeze %dma_start3A_15 : memref<1x4096xi32, #tpu.memory_space<vmem>> -> memref<4096xi32, #tpu.memory_space<vmem>>
    %dma_start3A_17 = arith.constant 0 : i32
    %dma_start3A_18 = tpu.memref_slice %arg2[%dma_start3A_12, %dma_start3A_17] : memref<26x4096xi32, #tpu.memory_space<hbm>> -> memref<1x4096xi32, #tpu.memory_space<hbm>>
    %dma_start3A_19 = tpu.memref_squeeze %dma_start3A_18 : memref<1x4096xi32, #tpu.memory_space<hbm>> -> memref<4096xi32, #tpu.memory_space<hbm>>
    %dma_start3A_20 = arith.constant 0 : i32
    %dma_start3A_21 = tpu.memref_slice %arg6[%dma_start3A_13, %dma_start3A_20] : memref<2x4096xi32, #tpu.memory_space<vmem>> -> memref<1x4096xi32, #tpu.memory_space<vmem>>
    %dma_start3A_22 = tpu.memref_squeeze %dma_start3A_21 : memref<1x4096xi32, #tpu.memory_space<vmem>> -> memref<4096xi32, #tpu.memory_space<vmem>>
    %dma_start3A_23 = arith.constant 0 : i32
    %dma_start3A_24 = tpu.memref_slice %arg2[%dma_start3A_12, %dma_start3A_23] : memref<26x4096xi32, #tpu.memory_space<hbm>> -> memref<1x4096xi32, #tpu.memory_space<hbm>>
    %dma_start3A_25 = tpu.memref_squeeze %dma_start3A_24 : memref<1x4096xi32, #tpu.memory_space<hbm>> -> memref<4096xi32, #tpu.memory_space<hbm>>
    tpu.enqueue_dma source(%dma_start3A_25 : memref<4096xi32, #tpu.memory_space<hbm>>) target(%dma_start3A_22 : memref<4096xi32, #tpu.memory_space<vmem>>) target_semaphore(%arg13 : memref<!tpu.dma_semaphore, #tpu.memory_space<semaphore_mem>>)
    %add3A_26 = arith.constant 0 : i32
    %add3A_27 = arith.addi %add3A_26, %add3A : i32
    %dma_start3A_28 = arith.constant 0 : i32
    %dma_start3A_29 = tpu.memref_slice %arg3[%add3A_27, %dma_start3A_28] : memref<832x100000xf32, #tpu.memory_space<hbm>> -> memref<1x100000xf32, #tpu.memory_space<hbm>>
    %dma_start3A_30 = tpu.memref_squeeze %dma_start3A_29 : memref<1x100000xf32, #tpu.memory_space<hbm>> -> memref<100000xf32, #tpu.memory_space<hbm>>
    %dma_start3A_31 = arith.constant 49920 : i32
    %dma_start3A_32 = tpu.memref_slice %dma_start3A_30[%dma_start3A_31] : memref<100000xf32, #tpu.memory_space<hbm>> -> memref<50080xf32, #tpu.memory_space<hbm>>
    %dma_start3A_33 = arith.constant 0 : i32
    %dma_start3A_34 = tpu.memref_slice %arg3[%add3A_27, %dma_start3A_33] : memref<832x100000xf32, #tpu.memory_space<hbm>> -> memref<1x100000xf32, #tpu.memory_space<hbm>>
    %dma_start3A_35 = tpu.memref_squeeze %dma_start3A_34 : memref<1x100000xf32, #tpu.memory_space<hbm>> -> memref<100000xf32, #tpu.memory_space<hbm>>
    %dma_start3A_36 = arith.constant 49920 : i32
    %dma_start3A_37 = tpu.memref_slice %dma_start3A_35[%dma_start3A_36] : memref<100000xf32, #tpu.memory_space<hbm>> -> memref<50080xf32, #tpu.memory_space<hbm>>
    tpu.enqueue_dma source(%dma_start3A_37 : memref<50080xf32, #tpu.memory_space<hbm>>) target(%arg8 : memref<50080xf32, #tpu.memory_space<vmem>>) target_semaphore(%arg12 : memref<!tpu.dma_semaphore, #tpu.memory_space<semaphore_mem>>)
    %scan3A = arith.constant 0 : i32
    %scan3A_38 = arith.constant 0 : i32
    %scan3A_39 = arith.constant 26 : i32
    %scan3A_40 = arith.addi %scan3A_38, %scan3A_39 : i32
    %scan3A_41 = arith.constant 1 : i32
    %scan3A_42 = scf.for %scan3A_73 = %scan3A_38 to %scan3A_40 step %scan3A_41 iter_args(%scan3A_74 = %scan3A) -> (i32)  : i32 {
      %jit3A = arith.constant 2 : i32
      %eq3A = arith.constant 0 : i32
      %eq3A_75 = arith.cmpi eq, %jit3A, %eq3A : i32
      %jit3A_76 = arith.constant 1 : i32
      %select_n3A = arith.select %eq3A_75, %jit3A_76, %jit3A : i32
      %rem3A = arith.remsi %scan3A_73, %select_n3A : i32
      %ne3A = arith.constant 0 : i32
      %ne3A_77 = arith.cmpi ne, %rem3A, %ne3A : i32
      %lt3A = arith.constant 0 : i32
      %lt3A_78 = arith.cmpi slt, %rem3A, %lt3A : i32
      %lt3A_79 = arith.constant 0 : i32
      %lt3A_80 = arith.cmpi slt, %select_n3A, %lt3A_79 : i32
      %ne3A_81 = arith.xori %lt3A_78, %lt3A_80 : i1
      %and3A = arith.andi %ne3A_81, %ne3A_77 : i1
      %add3A_82 = arith.addi %rem3A, %select_n3A : i32
      %select_n3A_83 = arith.select %and3A, %add3A_82, %rem3A : i32
      %mul3A_84 = arith.constant 32 : i32
      %mul3A_85 = arith.muli %scan3A_73, %mul3A_84 : i32
      %broadcast_in_dim3A = vector.broadcast %mul3A_85 : i32 to vector<16xi32>
      %add3A_86 = vector.broadcast %add3A : i32 to vector<16xi32>
      %add3A_87 = arith.addi %broadcast_in_dim3A, %add3A_86 : vector<16xi32>
      %gather3A = tpu.vector_load_idx %arg10[%add3A_87] : memref<832xf32, #tpu.memory_space<vmem>>[vector<16xi32>], vector<16xf32>,
      %dma_wait3A_88 = arith.constant 0 : i32
      %dma_wait3A_89 = tpu.memref_slice %arg6[%select_n3A_83, %dma_wait3A_88] : memref<2x4096xi32, #tpu.memory_space<vmem>> -> memref<1x4096xi32, #tpu.memory_space<vmem>>
      %dma_wait3A_90 = tpu.memref_squeeze %dma_wait3A_89 : memref<1x4096xi32, #tpu.memory_space<vmem>> -> memref<4096xi32, #tpu.memory_space<vmem>>
      %dma_wait3A_91 = arith.constant 0 : i32
      %dma_wait3A_92 = tpu.memref_slice %arg2[%scan3A_73, %dma_wait3A_91] : memref<26x4096xi32, #tpu.memory_space<hbm>> -> memref<1x4096xi32, #tpu.memory_space<hbm>>
      %dma_wait3A_93 = tpu.memref_squeeze %dma_wait3A_92 : memref<1x4096xi32, #tpu.memory_space<hbm>> -> memref<4096xi32, #tpu.memory_space<hbm>>
      %dma_wait3A_94 = arith.constant 0 : i32
      %dma_wait3A_95 = tpu.memref_slice %arg6[%select_n3A_83, %dma_wait3A_94] : memref<2x4096xi32, #tpu.memory_space<vmem>> -> memref<1x4096xi32, #tpu.memory_space<vmem>>
      %dma_wait3A_96 = tpu.memref_squeeze %dma_wait3A_95 : memref<1x4096xi32, #tpu.memory_space<vmem>> -> memref<4096xi32, #tpu.memory_space<vmem>>
      %dma_wait3A_97 = arith.constant 0 : i32
      %dma_wait3A_98 = tpu.memref_slice %arg2[%scan3A_73, %dma_wait3A_97] : memref<26x4096xi32, #tpu.memory_space<hbm>> -> memref<1x4096xi32, #tpu.memory_space<hbm>>
      %dma_wait3A_99 = tpu.memref_squeeze %dma_wait3A_98 : memref<1x4096xi32, #tpu.memory_space<hbm>> -> memref<4096xi32, #tpu.memory_space<hbm>>
      tpu.wait_dma2 semaphore(%arg13 : memref<!tpu.dma_semaphore, #tpu.memory_space<semaphore_mem>>) src(%dma_wait3A_99 : memref<4096xi32, #tpu.memory_space<hbm>>) dst(%dma_wait3A_96 : memref<4096xi32, #tpu.memory_space<vmem>>)
      %ge3A = arith.constant 2 : i32
      %ge3A_100 = arith.cmpi sge, %scan3A_73, %ge3A : i32
      %convert_element_type3A = arith.extui %ge3A_100 : i1 to i32
      %cond3A = arith.constant 0 : i32
      %cond3A_101 = arith.cmpi ne, %convert_element_type3A, %cond3A : i32
      scf.if %cond3A_101 {
        %mul3A_179 = arith.constant 32 : i32
        %mul3A_180 = arith.muli %scan3A_73, %mul3A_179 : i32
        %add3A_181 = arith.addi %mul3A_180, %add3A : i32
        %dma_wait3A_182 = arith.constant 0 : i32
        %dma_wait3A_183 = tpu.memref_slice %arg9[%select_n3A_83, %dma_wait3A_182] : memref<2x4096xf32, #tpu.memory_space<vmem>> -> memref<1x4096xf32, #tpu.memory_space<vmem>>
        %dma_wait3A_184 = tpu.memref_squeeze %dma_wait3A_183 : memref<1x4096xf32, #tpu.memory_space<vmem>> -> memref<4096xf32, #tpu.memory_space<vmem>>
        %dma_wait3A_185 = arith.constant 0 : i32
        %dma_wait3A_186 = tpu.memref_slice %arg5[%add3A_181, %dma_wait3A_185] : memref<832x4096xf32, #tpu.memory_space<hbm>> -> memref<1x4096xf32, #tpu.memory_space<hbm>>
        %dma_wait3A_187 = tpu.memref_squeeze %dma_wait3A_186 : memref<1x4096xf32, #tpu.memory_space<hbm>> -> memref<4096xf32, #tpu.memory_space<hbm>>
        %dma_wait3A_188 = arith.constant 0 : i32
        %dma_wait3A_189 = tpu.memref_slice %arg5[%add3A_181, %dma_wait3A_188] : memref<832x4096xf32, #tpu.memory_space<hbm>> -> memref<1x4096xf32, #tpu.memory_space<hbm>>
        %dma_wait3A_190 = tpu.memref_squeeze %dma_wait3A_189 : memref<1x4096xf32, #tpu.memory_space<hbm>> -> memref<4096xf32, #tpu.memory_space<hbm>>
        %dma_wait3A_191 = arith.constant 0 : i32
        %dma_wait3A_192 = tpu.memref_slice %arg9[%select_n3A_83, %dma_wait3A_191] : memref<2x4096xf32, #tpu.memory_space<vmem>> -> memref<1x4096xf32, #tpu.memory_space<vmem>>
        %dma_wait3A_193 = tpu.memref_squeeze %dma_wait3A_192 : memref<1x4096xf32, #tpu.memory_space<vmem>> -> memref<4096xf32, #tpu.memory_space<vmem>>
        tpu.wait_dma2 semaphore(%arg14 : memref<!tpu.dma_semaphore, #tpu.memory_space<semaphore_mem>>) src(%dma_wait3A_193 : memref<4096xf32, #tpu.memory_space<vmem>>) dst(%dma_wait3A_190 : memref<4096xf32, #tpu.memory_space<hbm>>)
      } else {
      }
      %mul3A_102 = arith.constant 32 : i32
      %mul3A_103 = arith.muli %scan3A_73, %mul3A_102 : i32
      %add3A_104 = arith.addi %mul3A_103, %add3A : i32
      %dma_wait3A_105 = arith.constant 0 : i32
      %dma_wait3A_106 = tpu.memref_slice %arg3[%add3A_104, %dma_wait3A_105] : memref<832x100000xf32, #tpu.memory_space<hbm>> -> memref<1x100000xf32, #tpu.memory_space<hbm>>
      %dma_wait3A_107 = tpu.memref_squeeze %dma_wait3A_106 : memref<1x100000xf32, #tpu.memory_space<hbm>> -> memref<100000xf32, #tpu.memory_space<hbm>>
      %dma_wait3A_108 = arith.constant 0 : i32
      %dma_wait3A_109 = tpu.memref_slice %dma_wait3A_107[%dma_wait3A_108] : memref<100000xf32, #tpu.memory_space<hbm>> -> memref<49920xf32, #tpu.memory_space<hbm>>
      %dma_wait3A_110 = arith.constant 0 : i32
      %dma_wait3A_111 = tpu.memref_slice %arg3[%add3A_104, %dma_wait3A_110] : memref<832x100000xf32, #tpu.memory_space<hbm>> -> memref<1x100000xf32, #tpu.memory_space<hbm>>
      %dma_wait3A_112 = tpu.memref_squeeze %dma_wait3A_111 : memref<1x100000xf32, #tpu.memory_space<hbm>> -> memref<100000xf32, #tpu.memory_space<hbm>>
      %dma_wait3A_113 = arith.constant 0 : i32
      %dma_wait3A_114 = tpu.memref_slice %dma_wait3A_112[%dma_wait3A_113] : memref<100000xf32, #tpu.memory_space<hbm>> -> memref<49920xf32, #tpu.memory_space<hbm>>
      tpu.wait_dma2 semaphore(%arg11 : memref<!tpu.dma_semaphore, #tpu.memory_space<semaphore_mem>>) src(%dma_wait3A_114 : memref<49920xf32, #tpu.memory_space<hbm>>) dst(%arg7 : memref<49920xf32, #tpu.memory_space<vmem>>)
      %add3A_115 = arith.constant 1 : i32
      %add3A_116 = arith.addi %scan3A_73, %add3A_115 : i32
      %lt3A_117 = arith.constant 26 : i32
      %lt3A_118 = arith.cmpi slt, %add3A_116, %lt3A_117 : i32
      %convert_element_type3A_119 = arith.extui %lt3A_118 : i1 to i32
      %cond3A_120 = arith.constant 0 : i32
      %cond3A_121 = arith.cmpi ne, %convert_element_type3A_119, %cond3A_120 : i32
      scf.if %cond3A_121 {
        %add3A_179 = arith.constant 1 : i32
        %add3A_180 = arith.addi %scan3A_73, %add3A_179 : i32
        %sub3A = arith.constant 1 : i32
        %sub3A_181 = arith.subi %sub3A, %select_n3A_83 : i32
        %dma_start3A_182 = arith.constant 0 : i32
        %dma_start3A_183 = tpu.memref_slice %arg6[%sub3A_181, %dma_start3A_182] : memref<2x4096xi32, #tpu.memory_space<vmem>> -> memref<1x4096xi32, #tpu.memory_space<vmem>>
        %dma_start3A_184 = tpu.memref_squeeze %dma_start3A_183 : memref<1x4096xi32, #tpu.memory_space<vmem>> -> memref<4096xi32, #tpu.memory_space<vmem>>
        %dma_start3A_185 = arith.constant 0 : i32
        %dma_start3A_186 = tpu.memref_slice %arg2[%add3A_180, %dma_start3A_185] : memref<26x4096xi32, #tpu.memory_space<hbm>> -> memref<1x4096xi32, #tpu.memory_space<hbm>>
        %dma_start3A_187 = tpu.memref_squeeze %dma_start3A_186 : memref<1x4096xi32, #tpu.memory_space<hbm>> -> memref<4096xi32, #tpu.memory_space<hbm>>
        %dma_start3A_188 = arith.constant 0 : i32
        %dma_start3A_189 = tpu.memref_slice %arg6[%sub3A_181, %dma_start3A_188] : memref<2x4096xi32, #tpu.memory_space<vmem>> -> memref<1x4096xi32, #tpu.memory_space<vmem>>
        %dma_start3A_190 = tpu.memref_squeeze %dma_start3A_189 : memref<1x4096xi32, #tpu.memory_space<vmem>> -> memref<4096xi32, #tpu.memory_space<vmem>>
        %dma_start3A_191 = arith.constant 0 : i32
        %dma_start3A_192 = tpu.memref_slice %arg2[%add3A_180, %dma_start3A_191] : memref<26x4096xi32, #tpu.memory_space<hbm>> -> memref<1x4096xi32, #tpu.memory_space<hbm>>
        %dma_start3A_193 = tpu.memref_squeeze %dma_start3A_192 : memref<1x4096xi32, #tpu.memory_space<hbm>> -> memref<4096xi32, #tpu.memory_space<hbm>>
        tpu.enqueue_dma source(%dma_start3A_193 : memref<4096xi32, #tpu.memory_space<hbm>>) target(%dma_start3A_190 : memref<4096xi32, #tpu.memory_space<vmem>>) target_semaphore(%arg13 : memref<!tpu.dma_semaphore, #tpu.memory_space<semaphore_mem>>)
      } else {
      }
      %scan3A_122 = arith.constant 0 : i32
      %scan3A_123 = arith.constant 0 : i32
      %scan3A_124 = arith.constant 256 : i32
      %scan3A_125 = arith.addi %scan3A_123, %scan3A_124 : i32
      %scan3A_126 = arith.constant 1 : i32
      %scan3A_127 = scf.for %scan3A_179 = %scan3A_123 to %scan3A_125 step %scan3A_126 iter_args(%scan3A_180 = %scan3A_122) -> (i32)  : i32 {
        %mul3A_181 = arith.constant 16 : i32
        %mul3A_182 = arith.muli %scan3A_179, %mul3A_181 : i32
        %get3A = arith.index_cast %select_n3A_83 : i32 to index
        %get3A_183 = arith.index_cast %mul3A_182 : i32 to index
        %get3A_184 = tpu.vector_load %arg6[%get3A, %get3A_183] {strides = array<i32>} : memref<2x4096xi32, #tpu.memory_space<vmem>>, vector<16xi32>,
        %min3A = arith.constant 49919 : i32
        %min3A_185 = vector.broadcast %min3A : i32 to vector<16xi32>
        %min3A_186 = arith.minsi %get3A_184, %min3A_185 : vector<16xi32>
        %gather3A_187 = tpu.vector_load_idx %arg7[%min3A_186] : memref<49920xf32, #tpu.memory_space<vmem>>[vector<16xi32>], vector<16xf32>,
        %lt3A_188 = arith.constant 49920 : i32
        %lt3A_189 = vector.broadcast %lt3A_188 : i32 to vector<16xi32>
        %lt3A_190 = arith.cmpi slt, %get3A_184, %lt3A_189 : vector<16xi32>
        %jit3A_191 = arith.constant 0.000000e+00 : f32
        %broadcast_in_dim3A_192 = vector.broadcast %jit3A_191 : f32 to vector<16xf32>
        %select_n3A_193 = arith.select %lt3A_190, %gather3A_187, %broadcast_in_dim3A_192 : vector<16xi1>, vector<16xf32>
        %mul3A_194 = arith.constant 16 : i32
        %mul3A_195 = arith.muli %scan3A_179, %mul3A_194 : i32
        %swap3A = arith.index_cast %select_n3A_83 : i32 to index
        %swap3A_196 = arith.index_cast %mul3A_195 : i32 to index
        %swap3A_197 = tpu.vector_load %arg9[%swap3A, %swap3A_196] {strides = array<i32>} : memref<2x4096xf32, #tpu.memory_space<vmem>>, vector<16xf32>,
        tpu.vector_store %arg9[%swap3A, %swap3A_196], %select_n3A_193 {strides = array<i32>} : memref<2x4096xf32, #tpu.memory_space<vmem>>, vector<16xf32>,
        %scan3A_198 = arith.constant 0 : i32
        scf.yield %scan3A_198 : i32
      }
      %scan3A_128 = arith.constant 256 : i32
      %add3A_129 = arith.constant 1 : i32
      %add3A_130 = arith.addi %scan3A_73, %add3A_129 : i32
      %lt3A_131 = arith.constant 26 : i32
      %lt3A_132 = arith.cmpi slt, %add3A_130, %lt3A_131 : i32
      %convert_element_type3A_133 = arith.extui %lt3A_132 : i1 to i32
      %cond3A_134 = arith.constant 0 : i32
      %cond3A_135 = arith.cmpi ne, %convert_element_type3A_133, %cond3A_134 : i32
      scf.if %cond3A_135 {
        %add3A_179 = arith.constant 1 : i32
        %add3A_180 = arith.addi %scan3A_73, %add3A_179 : i32
        %mul3A_181 = arith.constant 32 : i32
        %mul3A_182 = arith.muli %add3A_180, %mul3A_181 : i32
        %add3A_183 = arith.addi %mul3A_182, %add3A : i32
        %dma_start3A_184 = arith.constant 0 : i32
        %dma_start3A_185 = tpu.memref_slice %arg3[%add3A_183, %dma_start3A_184] : memref<832x100000xf32, #tpu.memory_space<hbm>> -> memref<1x100000xf32, #tpu.memory_space<hbm>>
        %dma_start3A_186 = tpu.memref_squeeze %dma_start3A_185 : memref<1x100000xf32, #tpu.memory_space<hbm>> -> memref<100000xf32, #tpu.memory_space<hbm>>
        %dma_start3A_187 = arith.constant 0 : i32
        %dma_start3A_188 = tpu.memref_slice %dma_start3A_186[%dma_start3A_187] : memref<100000xf32, #tpu.memory_space<hbm>> -> memref<49920xf32, #tpu.memory_space<hbm>>
        %dma_start3A_189 = arith.constant 0 : i32
        %dma_start3A_190 = tpu.memref_slice %arg3[%add3A_183, %dma_start3A_189] : memref<832x100000xf32, #tpu.memory_space<hbm>> -> memref<1x100000xf32, #tpu.memory_space<hbm>>
        %dma_start3A_191 = tpu.memref_squeeze %dma_start3A_190 : memref<1x100000xf32, #tpu.memory_space<hbm>> -> memref<100000xf32, #tpu.memory_space<hbm>>
        %dma_start3A_192 = arith.constant 0 : i32
        %dma_start3A_193 = tpu.memref_slice %dma_start3A_191[%dma_start3A_192] : memref<100000xf32, #tpu.memory_space<hbm>> -> memref<49920xf32, #tpu.memory_space<hbm>>
        tpu.enqueue_dma source(%dma_start3A_193 : memref<49920xf32, #tpu.memory_space<hbm>>) target(%arg7 : memref<49920xf32, #tpu.memory_space<vmem>>) target_semaphore(%arg11 : memref<!tpu.dma_semaphore, #tpu.memory_space<semaphore_mem>>)
      } else {
      }
      %mul3A_136 = arith.constant 32 : i32
      %mul3A_137 = arith.muli %scan3A_73, %mul3A_136 : i32
      %add3A_138 = arith.addi %mul3A_137, %add3A : i32
      %dma_wait3A_139 = arith.constant 0 : i32
      %dma_wait3A_140 = tpu.memref_slice %arg3[%add3A_138, %dma_wait3A_139] : memref<832x100000xf32, #tpu.memory_space<hbm>> -> memref<1x100000xf32, #tpu.memory_space<hbm>>
      %dma_wait3A_141 = tpu.memref_squeeze %dma_wait3A_140 : memref<1x100000xf32, #tpu.memory_space<hbm>> -> memref<100000xf32, #tpu.memory_space<hbm>>
      %dma_wait3A_142 = arith.constant 49920 : i32
      %dma_wait3A_143 = tpu.memref_slice %dma_wait3A_141[%dma_wait3A_142] : memref<100000xf32, #tpu.memory_space<hbm>> -> memref<50080xf32, #tpu.memory_space<hbm>>
      %dma_wait3A_144 = arith.constant 0 : i32
      %dma_wait3A_145 = tpu.memref_slice %arg3[%add3A_138, %dma_wait3A_144] : memref<832x100000xf32, #tpu.memory_space<hbm>> -> memref<1x100000xf32, #tpu.memory_space<hbm>>
      %dma_wait3A_146 = tpu.memref_squeeze %dma_wait3A_145 : memref<1x100000xf32, #tpu.memory_space<hbm>> -> memref<100000xf32, #tpu.memory_space<hbm>>
      %dma_wait3A_147 = arith.constant 49920 : i32
      %dma_wait3A_148 = tpu.memref_slice %dma_wait3A_146[%dma_wait3A_147] : memref<100000xf32, #tpu.memory_space<hbm>> -> memref<50080xf32, #tpu.memory_space<hbm>>
      tpu.wait_dma2 semaphore(%arg12 : memref<!tpu.dma_semaphore, #tpu.memory_space<semaphore_mem>>) src(%dma_wait3A_148 : memref<50080xf32, #tpu.memory_space<hbm>>) dst(%arg8 : memref<50080xf32, #tpu.memory_space<vmem>>)
      %scan3A_149 = arith.constant 0 : i32
      %scan3A_150 = arith.constant 0 : i32
      %scan3A_151 = arith.constant 256 : i32
      %scan3A_152 = arith.addi %scan3A_150, %scan3A_151 : i32
      %scan3A_153 = arith.constant 1 : i32
      %scan3A_154 = scf.for %scan3A_179 = %scan3A_150 to %scan3A_152 step %scan3A_153 iter_args(%scan3A_180 = %scan3A_149) -> (i32)  : i32 {
        %mul3A_181 = arith.constant 16 : i32
        %mul3A_182 = arith.muli %scan3A_179, %mul3A_181 : i32
        %get3A = arith.index_cast %select_n3A_83 : i32 to index
        %get3A_183 = arith.index_cast %mul3A_182 : i32 to index
        %get3A_184 = tpu.vector_load %arg6[%get3A, %get3A_183] {strides = array<i32>} : memref<2x4096xi32, #tpu.memory_space<vmem>>, vector<16xi32>,
        %sub3A = arith.constant 49920 : i32
        %sub3A_185 = vector.broadcast %sub3A : i32 to vector<16xi32>
        %sub3A_186 = arith.subi %get3A_184, %sub3A_185 : vector<16xi32>
        %max3A = arith.constant 0 : i32
        %max3A_187 = vector.broadcast %max3A : i32 to vector<16xi32>
        %max3A_188 = arith.maxsi %sub3A_186, %max3A_187 : vector<16xi32>
        %min3A = arith.constant 50079 : i32
        %min3A_189 = vector.broadcast %min3A : i32 to vector<16xi32>
        %min3A_190 = arith.minsi %max3A_188, %min3A_189 : vector<16xi32>
        %gather3A_191 = tpu.vector_load_idx %arg8[%min3A_190] : memref<50080xf32, #tpu.memory_space<vmem>>[vector<16xi32>], vector<16xf32>,
        %get3A_192 = arith.index_cast %select_n3A_83 : i32 to index
        %get3A_193 = arith.index_cast %mul3A_182 : i32 to index
        %get3A_194 = tpu.vector_load %arg9[%get3A_192, %get3A_193] {strides = array<i32>} : memref<2x4096xf32, #tpu.memory_space<vmem>>, vector<16xf32>,
        %ge3A_195 = arith.constant 49920 : i32
        %ge3A_196 = vector.broadcast %ge3A_195 : i32 to vector<16xi32>
        %ge3A_197 = arith.cmpi sge, %get3A_184, %ge3A_196 : vector<16xi32>
        %jit3A_198 = arith.constant 0.000000e+00 : f32
        %broadcast_in_dim3A_199 = vector.broadcast %jit3A_198 : f32 to vector<16xf32>
        %select_n3A_200 = arith.select %ge3A_197, %gather3A_191, %broadcast_in_dim3A_199 : vector<16xi1>, vector<16xf32>
        %add3A_201 = arith.addf %get3A_194, %select_n3A_200 : vector<16xf32>
        %add3A_202 = arith.addf %add3A_201, %gather3A : vector<16xf32>
        %swap3A = arith.index_cast %select_n3A_83 : i32 to index
        %swap3A_203 = arith.index_cast %mul3A_182 : i32 to index
        %swap3A_204 = tpu.vector_load %arg9[%swap3A, %swap3A_203] {strides = array<i32>} : memref<2x4096xf32, #tpu.memory_space<vmem>>, vector<16xf32>,
        tpu.vector_store %arg9[%swap3A, %swap3A_203], %add3A_202 {strides = array<i32>} : memref<2x4096xf32, #tpu.memory_space<vmem>>, vector<16xf32>,
        %scan3A_205 = arith.constant 0 : i32
        scf.yield %scan3A_205 : i32
      }
      %scan3A_155 = arith.constant 256 : i32
      %add3A_156 = arith.constant 1 : i32
      %add3A_157 = arith.addi %scan3A_73, %add3A_156 : i32
      %lt3A_158 = arith.constant 26 : i32
      %lt3A_159 = arith.cmpi slt, %add3A_157, %lt3A_158 : i32
      %convert_element_type3A_160 = arith.extui %lt3A_159 : i1 to i32
      %cond3A_161 = arith.constant 0 : i32
      %cond3A_162 = arith.cmpi ne, %convert_element_type3A_160, %cond3A_161 : i32
      scf.if %cond3A_162 {
        %add3A_179 = arith.constant 1 : i32
        %add3A_180 = arith.addi %scan3A_73, %add3A_179 : i32
        %mul3A_181 = arith.constant 32 : i32
        %mul3A_182 = arith.muli %add3A_180, %mul3A_181 : i32
        %add3A_183 = arith.addi %mul3A_182, %add3A : i32
        %dma_start3A_184 = arith.constant 0 : i32
        %dma_start3A_185 = tpu.memref_slice %arg3[%add3A_183, %dma_start3A_184] : memref<832x100000xf32, #tpu.memory_space<hbm>> -> memref<1x100000xf32, #tpu.memory_space<hbm>>
        %dma_start3A_186 = tpu.memref_squeeze %dma_start3A_185 : memref<1x100000xf32, #tpu.memory_space<hbm>> -> memref<100000xf32, #tpu.memory_space<hbm>>
        %dma_start3A_187 = arith.constant 49920 : i32
        %dma_start3A_188 = tpu.memref_slice %dma_start3A_186[%dma_start3A_187] : memref<100000xf32, #tpu.memory_space<hbm>> -> memref<50080xf32, #tpu.memory_space<hbm>>
        %dma_start3A_189 = arith.constant 0 : i32
        %dma_start3A_190 = tpu.memref_slice %arg3[%add3A_183, %dma_start3A_189] : memref<832x100000xf32, #tpu.memory_space<hbm>> -> memref<1x100000xf32, #tpu.memory_space<hbm>>
        %dma_start3A_191 = tpu.memref_squeeze %dma_start3A_190 : memref<1x100000xf32, #tpu.memory_space<hbm>> -> memref<100000xf32, #tpu.memory_space<hbm>>
        %dma_start3A_192 = arith.constant 49920 : i32
        %dma_start3A_193 = tpu.memref_slice %dma_start3A_191[%dma_start3A_192] : memref<100000xf32, #tpu.memory_space<hbm>> -> memref<50080xf32, #tpu.memory_space<hbm>>
        tpu.enqueue_dma source(%dma_start3A_193 : memref<50080xf32, #tpu.memory_space<hbm>>) target(%arg8 : memref<50080xf32, #tpu.memory_space<vmem>>) target_semaphore(%arg12 : memref<!tpu.dma_semaphore, #tpu.memory_space<semaphore_mem>>)
      } else {
      }
      %mul3A_163 = arith.constant 32 : i32
      %mul3A_164 = arith.muli %scan3A_73, %mul3A_163 : i32
      %add3A_165 = arith.addi %mul3A_164, %add3A : i32
      %dma_start3A_166 = arith.constant 0 : i32
      %dma_start3A_167 = tpu.memref_slice %arg9[%select_n3A_83, %dma_start3A_166] : memref<2x4096xf32, #tpu.memory_space<vmem>> -> memref<1x4096xf32, #tpu.memory_space<vmem>>
      %dma_start3A_168 = tpu.memref_squeeze %dma_start3A_167 : memref<1x4096xf32, #tpu.memory_space<vmem>> -> memref<4096xf32, #tpu.memory_space<vmem>>
      %dma_start3A_169 = arith.constant 0 : i32
      %dma_start3A_170 = tpu.memref_slice %arg5[%add3A_165, %dma_start3A_169] : memref<832x4096xf32, #tpu.memory_space<hbm>> -> memref<1x4096xf32, #tpu.memory_space<hbm>>
      %dma_start3A_171 = tpu.memref_squeeze %dma_start3A_170 : memref<1x4096xf32, #tpu.memory_space<hbm>> -> memref<4096xf32, #tpu.memory_space<hbm>>
      %dma_start3A_172 = arith.constant 0 : i32
      %dma_start3A_173 = tpu.memref_slice %arg5[%add3A_165, %dma_start3A_172] : memref<832x4096xf32, #tpu.memory_space<hbm>> -> memref<1x4096xf32, #tpu.memory_space<hbm>>
      %dma_start3A_174 = tpu.memref_squeeze %dma_start3A_173 : memref<1x4096xf32, #tpu.memory_space<hbm>> -> memref<4096xf32, #tpu.memory_space<hbm>>
      %dma_start3A_175 = arith.constant 0 : i32
      %dma_start3A_176 = tpu.memref_slice %arg9[%select_n3A_83, %dma_start3A_175] : memref<2x4096xf32, #tpu.memory_space<vmem>> -> memref<1x4096xf32, #tpu.memory_space<vmem>>
      %dma_start3A_177 = tpu.memref_squeeze %dma_start3A_176 : memref<1x4096xf32, #tpu.memory_space<vmem>> -> memref<4096xf32, #tpu.memory_space<vmem>>
      tpu.enqueue_dma source(%dma_start3A_177 : memref<4096xf32, #tpu.memory_space<vmem>>) target(%dma_start3A_174 : memref<4096xf32, #tpu.memory_space<hbm>>) target_semaphore(%arg14 : memref<!tpu.dma_semaphore, #tpu.memory_space<semaphore_mem>>)
      %scan3A_178 = arith.constant 0 : i32
      scf.yield %scan3A_178 : i32
    }
    %scan3A_43 = arith.constant 26 : i32
    %add3A_44 = arith.constant 768 : i32
    %add3A_45 = arith.addi %add3A_44, %add3A : i32
    %dma_wait3A = arith.constant 0 : i32
    %dma_wait3A_46 = arith.constant 0 : i32
    %dma_wait3A_47 = tpu.memref_slice %arg9[%dma_wait3A, %dma_wait3A_46] : memref<2x4096xf32, #tpu.memory_space<vmem>> -> memref<1x4096xf32, #tpu.memory_space<vmem>>
    %dma_wait3A_48 = tpu.memref_squeeze %dma_wait3A_47 : memref<1x4096xf32, #tpu.memory_space<vmem>> -> memref<4096xf32, #tpu.memory_space<vmem>>
    %dma_wait3A_49 = arith.constant 0 : i32
    %dma_wait3A_50 = tpu.memref_slice %arg5[%add3A_45, %dma_wait3A_49] : memref<832x4096xf32, #tpu.memory_space<hbm>> -> memref<1x4096xf32, #tpu.memory_space<hbm>>
    %dma_wait3A_51 = tpu.memref_squeeze %dma_wait3A_50 : memref<1x4096xf32, #tpu.memory_space<hbm>> -> memref<4096xf32, #tpu.memory_space<hbm>>
    %dma_wait3A_52 = arith.constant 0 : i32
    %dma_wait3A_53 = tpu.memref_slice %arg5[%add3A_45, %dma_wait3A_52] : memref<832x4096xf32, #tpu.memory_space<hbm>> -> memref<1x4096xf32, #tpu.memory_space<hbm>>
    %dma_wait3A_54 = tpu.memref_squeeze %dma_wait3A_53 : memref<1x4096xf32, #tpu.memory_space<hbm>> -> memref<4096xf32, #tpu.memory_space<hbm>>
    %dma_wait3A_55 = arith.constant 0 : i32
    %dma_wait3A_56 = tpu.memref_slice %arg9[%dma_wait3A, %dma_wait3A_55] : memref<2x4096xf32, #tpu.memory_space<vmem>> -> memref<1x4096xf32, #tpu.memory_space<vmem>>
    %dma_wait3A_57 = tpu.memref_squeeze %dma_wait3A_56 : memref<1x4096xf32, #tpu.memory_space<vmem>> -> memref<4096xf32, #tpu.memory_space<vmem>>
    tpu.wait_dma2 semaphore(%arg14 : memref<!tpu.dma_semaphore, #tpu.memory_space<semaphore_mem>>) src(%dma_wait3A_57 : memref<4096xf32, #tpu.memory_space<vmem>>) dst(%dma_wait3A_54 : memref<4096xf32, #tpu.memory_space<hbm>>)
    %add3A_58 = arith.constant 800 : i32
    %add3A_59 = arith.addi %add3A_58, %add3A : i32
    %dma_wait3A_60 = arith.constant 1 : i32
    %dma_wait3A_61 = arith.constant 0 : i32
    %dma_wait3A_62 = tpu.memref_slice %arg9[%dma_wait3A_60, %dma_wait3A_61] : memref<2x4096xf32, #tpu.memory_space<vmem>> -> memref<1x4096xf32, #tpu.memory_space<vmem>>
    %dma_wait3A_63 = tpu.memref_squeeze %dma_wait3A_62 : memref<1x4096xf32, #tpu.memory_space<vmem>> -> memref<4096xf32, #tpu.memory_space<vmem>>
    %dma_wait3A_64 = arith.constant 0 : i32
    %dma_wait3A_65 = tpu.memref_slice %arg5[%add3A_59, %dma_wait3A_64] : memref<832x4096xf32, #tpu.memory_space<hbm>> -> memref<1x4096xf32, #tpu.memory_space<hbm>>
    %dma_wait3A_66 = tpu.memref_squeeze %dma_wait3A_65 : memref<1x4096xf32, #tpu.memory_space<hbm>> -> memref<4096xf32, #tpu.memory_space<hbm>>
    %dma_wait3A_67 = arith.constant 0 : i32
    %dma_wait3A_68 = tpu.memref_slice %arg5[%add3A_59, %dma_wait3A_67] : memref<832x4096xf32, #tpu.memory_space<hbm>> -> memref<1x4096xf32, #tpu.memory_space<hbm>>
    %dma_wait3A_69 = tpu.memref_squeeze %dma_wait3A_68 : memref<1x4096xf32, #tpu.memory_space<hbm>> -> memref<4096xf32, #tpu.memory_space<hbm>>
    %dma_wait3A_70 = arith.constant 0 : i32
    %dma_wait3A_71 = tpu.memref_slice %arg9[%dma_wait3A_60, %dma_wait3A_70] : memref<2x4096xf32, #tpu.memory_space<vmem>> -> memref<1x4096xf32, #tpu.memory_space<vmem>>
    %dma_wait3A_72 = tpu.memref_squeeze %dma_wait3A_71 : memref<1x4096xf32, #tpu.memory_space<vmem>> -> memref<4096xf32, #tpu.memory_space<vmem>>
    tpu.wait_dma2 semaphore(%arg14 : memref<!tpu.dma_semaphore, #tpu.memory_space<semaphore_mem>>) src(%dma_wait3A_72 : memref<4096xf32, #tpu.memory_space<vmem>>) dst(%dma_wait3A_69 : memref<4096xf32, #tpu.memory_space<hbm>>)
    return
  }
}

</mosaic_0001>

<sc_bundles>
// kernel: _run.3.cloned.1.call-start
scs
__scs_entry_jumppad:
0x0: {  	(pc) =	sbr.rel $0x88, $3  }
0x1: {  	(tag) =	ssettag $0x0;
	lr =	simm.s32 $0x1  }
0x2: {  	[smem:$0x3F9E] =	sst lr;
	_ =	strace $0xD0000000  }
0x3: {  	_ = 	snop  }
0x4: {  	_ = 	snop  }
0x5: {  	_ = 	snop  }
0x6: {  	_ = 	snop  }
0x7: {  	_ = 	snop  }
__scs_overlays_trampoline_lowered:
0x8: {  	[smem:$0x3FAD] =	sst s0  }
0x9: {  	[smem:$0x3FAE] =	sst s1  }
0xa: {  	[smem:$0x3FAF] =	sst s2  }
0xb: {  	[smem:$0x3FB0] =	sst s3  }
0xc: {  	[smem:$0x3FB1] =	sst s4  }
0xd: {  	[smem:$0x3FB2] =	sst s5  }
0xe: {  	[smem:$0x3FB3] =	sst s6  }
0xf: {  	[smem:$0x3FB4] =	sst s7  }
0x10: {  	[smem:$0x3FB5] =	sst s8  }
0x11: {  	[smem:$0x3FB6] =	sst s9;
	s0 =	simm.s32 @!p0 $0x0  }
0x12: {  	s1 =	sld [smem:$0x3F9C];
	s0 =	simm.s32 @p0 $0x1  }
0x13: {  	[smem:$0x3FB7] =	sst s0;
	s0 =	simm.s32 @!p1 $0x0  }
0x14: {  	s2 =	sld [smem:$0x3F9B];
	s0 =	simm.s32 @p1 $0x1  }
0x15: {  	[smem:$0x3FB8] =	sst s0;
	s0 =	simm.s32 @!p2 $0x0  }
0x16: {  	s3 =	sld [smem:$0x3FDB];
	s0 =	simm.s32 @p2 $0x1  }
0x17: {  	s4 =	simm.s32 $0x1BF5;
	[smem:$0x3FBA] =	sst s0  }
0x18: {  	s0 =	sld [smem:$0x3F9D];
	_ =	swait.ge [sflag:s4], $0x0  }
0x19: {  	s7 =	sld [smem:$0x3F9E]  }
0x1a: {  	s8 =	sadd.s32 $0xFFFFE003, lr  }
0x1b: {  	s9 =	sadd.s32 $0xFFFFFEF7, lr;
	s5 =	simm.s32 $0xFFFFFFFF;
	p2 =	slt.u32 s8, $0xFFFFF086  }
0x1c: {  	p1 =	slt.u32 s9, $0xF7A;
	s5 =	simm.s32 @!p2 $0x0  }
0x1d: {  	s5 =	simm.s32 @p1 $0x1;
	p0 =	seq.s32 s7, s2  }
0x1e: {  	s7 =	smul.u32 @!p0 $0xF7A, s2;
	p2 =	seq.s32 @!p0 s5, $0x0  }
0x1f: {  	s9 =	smul.u32 $0xF7A, s1;
	s8 =	simm.s32 @!p0 $0x1BF5;
	p2 =	por !p2, p0  }
0x20: {  	[sflag:s8] =	ssyncset.s32 @!p0 $0xFFFFF086;
	s6 =	sadd.s32 @!p0 s3, s7;
	s7 =	simm.s32 @!p0 $0x108  }
0x21: {  	s3 =	sadd.s32 s3, s9;
	s6 =	sadd.s32 @!p0 $0x88, s6;
	s7 =	simm.s32 @p2 $0x1082  }
0x22: {  	[simem:s7], [sflag:s8] =	dma.local @!p0 [hbm:s6], $0xF7A  }
0x23: {  	s9 =	sor.u32 $0xD0000000, s2;
	s6 =	simm.s32 $0x108;
	_ =	swait.ge @!p0 [sflag:s8], $0x0  }
0x24: {  	s3 =	sadd.s32 $0x88, s3;
	s6 =	simm.s32 @!p1 $0x1082;
	[sflag:s4] =	ssyncset.s32 $0xFFFFF086  }
0x25: {  	[simem:s6], [sflag:s4] =	dma.local [hbm:s3], $0xF7A  }
0x26: {  	[smem:$0x3F9E] =	sst s1;
	(tag) =	ssettag s2;
	_ =	strace s9  }
0x27: {  	s1 =	sld [smem:$0x3FAE]  }
0x28: {  	s2 =	sld [smem:$0x3FAF]  }
0x29: {  	s4 =	sld [smem:$0x3FB1]  }
0x2a: {  	p0 =	seq.s32 s5, $0x0;
	s5 =	sld [smem:$0x3FB2]  }
0x2b: {  	s6 =	sld [smem:$0x3FB3]  }
0x2c: {  	s7 =	sld [smem:$0x3FB4]  }
0x2d: {  	s3 =	simm.s32 $0x108;
	s8 =	sld [smem:$0x3FB5]  }
0x2e: {  	s3 =	simm.s32 @!p0 $0x1082;
	s9 =	sld [smem:$0x3FB6]  }
0x2f: {  	lr =	sadd.s32 s0, s3;
	s0 =	sld [smem:$0x3FAD]  }
0x30: {  	s3 =	sld [smem:$0x3FB0]  }
0x31: {  	[smem:$0x3FB9] =	sst s10  }
0x32: {  	s10 =	sld [smem:$0x3FB7];
	_ =	sdelay $0x3  }
0x33: {  	p0 =	seq.s32 s10, $0x1;
	s10 =	sld [smem:$0x3FB9];
	_ =	sdelay $0x3  }
0x34: {  	[smem:$0x3FB9] =	sst s10  }
0x35: {  	s10 =	sld [smem:$0x3FB8];
	_ =	sdelay $0x3  }
0x36: {  	p1 =	seq.s32 s10, $0x1;
	s10 =	sld [smem:$0x3FB9];
	_ =	sdelay $0x3  }
0x37: {  	[smem:$0x3FB9] =	sst s10  }
0x38: {  	s10 =	sld [smem:$0x3FBA]  }
0x39: {  	_ = 	snop;
	(pc) =	sbr.ind lr, $3  }
0x3a: {  	_ = 	snop  }
0x3b: {  	_ = 	snop  }
0x3c: {  	p2 =	seq.s32 s10, $0x1;
	s10 =	sld [smem:$0x3FB9]  }
0x3d: {  	_ =	shalt  }
0x3e: {  	_ =	shalt  }
0x3f: {  	_ =	shalt  }
0x40: {  	_ =	shalt  }
0x41: {  	_ =	shalt  }
0x42: {  	_ =	shalt  }
0x43: {  	_ =	shalt  }
0x44: {  	_ =	shalt  }
0x45: {  	_ =	shalt  }
0x46: {  	_ =	shalt  }
0x47: {  	_ =	shalt  }
0x48: {  	_ =	shalt  }
0x49: {  	_ =	shalt  }
0x4a: {  	_ =	shalt  }
0x4b: {  	_ =	shalt  }
0x4c: {  	_ =	shalt  }
0x4d: {  	_ =	shalt  }
0x4e: {  	_ =	shalt  }
0x4f: {  	_ =	shalt  }
0x50: {  	_ =	shalt  }
0x51: {  	_ =	shalt  }
0x52: {  	_ =	shalt  }
0x53: {  	_ =	shalt  }
0x54: {  	_ =	shalt  }
0x55: {  	_ =	shalt  }
0x56: {  	_ =	shalt  }
0x57: {  	_ =	shalt  }
0x58: {  	_ =	shalt  }
0x59: {  	_ =	shalt  }
0x5a: {  	_ =	shalt  }
0x5b: {  	_ =	shalt  }
0x5c: {  	_ =	shalt  }
0x5d: {  	_ =	shalt  }
0x5e: {  	_ =	shalt  }
0x5f: {  	_ =	shalt  }
0x60: {  	_ =	shalt  }
0x61: {  	_ =	shalt  }
0x62: {  	_ =	shalt  }
0x63: {  	_ =	shalt  }
0x64: {  	_ =	shalt  }
0x65: {  	_ =	shalt  }
0x66: {  	_ =	shalt  }
0x67: {  	_ =	shalt  }
0x68: {  	_ =	shalt  }
0x69: {  	_ =	shalt  }
0x6a: {  	_ =	shalt  }
0x6b: {  	_ =	shalt  }
0x6c: {  	_ =	shalt  }
0x6d: {  	_ =	shalt  }
0x6e: {  	_ =	shalt  }
0x6f: {  	_ =	shalt  }
0x70: {  	_ =	shalt  }
0x71: {  	_ =	shalt  }
0x72: {  	_ =	shalt  }
0x73: {  	_ =	shalt  }
0x74: {  	_ =	shalt  }
0x75: {  	_ =	shalt  }
0x76: {  	_ =	shalt  }
0x77: {  	_ =	shalt  }
0x78: {  	_ =	shalt  }
0x79: {  	_ =	shalt  }
0x7a: {  	_ =	shalt  }
0x7b: {  	_ =	shalt  }
0x7c: {  	_ =	shalt  }
0x7d: {  	_ =	shalt  }
0x7e: {  	_ =	shalt  }
0x7f: {  	_ =	shalt  }
0x80: {  	_ =	shalt  }
0x81: {  	_ =	shalt  }
0x82: {  	_ =	shalt  }
0x83: {  	_ =	shalt  }
0x84: {  	_ =	shalt  }
0x85: {  	_ =	shalt  }
0x86: {  	_ =	shalt  }
0x87: {  	_ =	shalt  }
.Lfunc_end0:
.L_simem_size_0:
called_computation_lowered:
.L_overlay_start_0:
0x88: {  	s2 =	sld [smem:$0x3FD9]  }
0x89: {  	s3 =	sld [smem:$0x3FFE];
	_ =	sdelay $0x1  }
0x8a: {  	s1 =	srdreg.scid  }
0x8b: {  	s0 =	sand.u32 $0x1, s1  }
0x8c: {  	s18 =	sshll.u32 s0, $0xA;
	s2 =	sadd.s32 s3, s2  }
0x8d: {  	s2 =	sadd.s32 s2, s18  }
0x8e: {  	[smem:$0x3FC5] =	sst s2  }
0x8f: {  	_ = 	snop  }
0x90: {  	s2 =	sld [smem:$0x3FC9]  }
0x91: {  	s19 =	sld [smem:$0x3FC8]  }
0x92: {  	s4 =	sld [smem:$0x3FC7]  }
0x93: {  	s5 =	sld [smem:$0x3FD0];
	(tm) =	ssettm $0x1  }
0x94: {  	s6 =	sld [smem:$0x3FFB];
	_ =	sdelay $0x3  }
0x95: {  	_ =	strace s6  }
0x96: {  	s6 =	sld [smem:$0x3FFC];
	_ =	sdelay $0x3  }
0x97: {  	_ =	strace s6  }
0x98: {  	s6 =	sld [smem:$0x3FFD];
	_ =	sdelay $0x3  }
0x99: {  	_ =	strace s6  }
0x9a: {  	_ =	strace $0x8FFFFFFF  }
0x9b: {  	s20 =	sld [smem:$0x3FDB];
	_ =	sdelay $0x1  }
0x9c: {  	s7 =	simm.s32 $_scs_section_size  }
0x9d: {  	s8 =	simm.s32 $_size__tile_overlayer_lowered;
	s9 =	simm.s32 $_tile_overlayer_lowered  }
0x9e: {  	s23 =	simm.s32 $0x1BFF;
	s22 =	sshll.u32 s9, $0x1;
	s6 =	sadd.s32 s7, s20  }
0x9f: {  	s10 =	simm.s32 $0x0;
	s21 =	sshll.u32 s8, $0x1;
	s8 =	sadd.s32 s22, s6  }
0xa0: {  	[timem:s10], [sflag:s23] =	dma.local [hbm:s8], s21  }
0xa1: {  	_ =	swait.ge [sflag:s23], s21  }
0xa2: {  	s7 =	ssub.s32 $0x0, s21;
	[sflag:s23] =	ssyncset.done $0x0  }
0xa3: {  	[sflag:s23] =	ssyncadd.s32 s7;
	_ =	sdelay $0x1  }
0xa4: {  	s24 =	simm.s32 $0x1B8B  }
0xa5: {  	_ =	swait.ge [sflag:s24], $0x1  }
0xa6: {  	[sflag:s24] =	ssyncset.done $0x0  }
0xa7: {  	s25 =	simm.s32 $0x1B8E;
	[sflag:s24] =	ssyncadd.s32 $0xFFFFFFFF  }
0xa8: {  	s26 =	simm.s32 $execute0_lowered;
	[smem:$0x3FD2] =	sst s25  }
0xa9: {  	s7 =	sshll.u32 s26, $0x1;
	_ =	strace $0x80000046;
	[dreg:$0x1] =	wrdreg $0xFFFFFFFF  }
0xaa: {  	s28 =	simm.s32 $_size_execute0_lowered;
	s6 =	sadd.s32 s6, s7;
	[dreg:$0x0] =	wrdreg $0x0  }
0xab: {  	s7 =	sshll.u32 s28, $0x1;
	[dreg:$0x2] =	wrdreg s6  }
0xac: {  	[dreg:$0x3] =	wrdreg s7  }
0xad: {  	[dreg:$0x4] =	wrdreg $0xC0  }
0xae: {  	_ =	task [dreg:s10], $0x5FFFF  }
0xaf: {  	[dreg:$0x1] =	wrdreg $0xFFFFFFFF  }
0xb0: {  	[dreg:$0x0] =	wrdreg $0x60  }
0xb1: {  	[dreg:$0x2] =	wrdreg s2  }
0xb2: {  	[dreg:$0x3] =	wrdreg s19  }
0xb3: {  	[dreg:$0x4] =	wrdreg s4  }
0xb4: {  	[dreg:$0x5] =	wrdreg s5  }
0xb5: {  	[dreg:$0x6] =	wrdreg $0x9  }
0xb6: {  	_ =	task.clear_ibuf [dreg:s10], $0x7FFFF;
	_ =	strace $0x90000046  }
0xb7: {  	s29 =	simm.s32 $0x9;
	_ =	strace $0x80000048  }
0xb8: {  	_ =	swait.ge [sflag:s29], $0x1  }
0xb9: {  	[sflag:s29] =	ssyncadd.s32 $0xFFFFFFFF  }
0xba: {  	_ =	strace $0x90000048  }
0xbb: {  	_ =	sfence  }
0xbc: {  	s30 =	sld [smem:$0x0];
	_ =	sdelay $0x2  }
0xbd: {  	s31 =	sshll.u32 s1, $0xD;
	s1 =	sshrl.u32 s1, $0x2  }
0xbe: {  	s3 =	sand.u32 $0x4000, s31;
	s1 =	sadd.s32 s1, s30  }
0xbf: {  	s0 =	sor.u32 s3, s0;
	s1 =	sshll.u32 s1, $0x11  }
0xc0: {  	s0 =	sor.u32 s1, s0  }
0xc1: {  	s0 =	sadd.s32 $0x8F2B, s0  }
0xc2: {  	[sflag:s0] =	ssyncadd.remote.s32 $0x1  }
0xc3: {  	_ =	sfence.sel $0xFFFF  }
0xc4: {  	[dreg:$0x0] =	wrdreg $0xFFFFFFFF;
	(pc) =	sbr.abs _section_cstart, $3  }
0xc5: {  	[dreg:$0x1] =	wrdreg $0xFFFFFFFF  }
0xc6: {  	_ =	task.clear_ibuf [dreg:s10], $0x2FFFF;
	_ =	strace $0x9FFFFFFF  }
0xc7: {  	(tm) =	ssettm $0x7FFFFFFF  }
tec
execute0_lowered:
.L_overlay_start_1:
0x0: {  	(tag) =	ssettag $0x1  }
0x1: {  	s1 =	rddreg [dreg:$0x0]  }
0x2: {  	s3 =	rddreg [dreg:$0x1]  }
0x3: {  	s0 =	rddreg [dreg:$0x3];
	s2 =	srdreg.scid  }
0x4: {  	s4 =	stileid.u32;
	s6 =	simm.s32 $0x0;
	s12 =	simm.s32 $0x1C700  }
0x5: {  	s13 =	simm.s32 $0x5;
	s14 =	simm.s32 $0x80;
	s15 =	simm.s32 $0x400  }
0x6: {  	s16 =	simm.s32 $0x2000;
	s18 =	simm.s32 $0xE300;
	s19 =	simm.s32 $0x1  }
0x7: {  	s20 =	simm.s32 $0x3;
	s2 =	sand.u32 $0x1, s2;
	s5 =	sshll.u32 s4, $0x1  }
0x8: {  	s21 =	simm.s32 $0x2;
	s4 =	sshrl.u32 s4, $0x2;
	s7 =	sor.u32 s2, s5  }
0x9: {  	s22 =	simm.s32 $0x4;
	s4 =	smul.u32 $0xC3800, s4;
	s8 =	sshll.u32 s7, $0x7  }
0xa: {  	s23 =	simm.s32 $0x0;
	[smem:$0x7FF] =	sst s6;
	s8 =	sand.u32 $0x380, s8  }
0xb: {  	_ =	strace $0x80000047;
	s2 =	ssub.s32 $0x2, s2;
	s4 =	sor.u32 s4, s8  }
0xc: {  	s9 =	sshrl.u32 s2, $0x1;
	s10 =	sshll.u32 s7, $0x4;
	s4 =	sshrl.u32 s4, $0x3  }
0xd: {  	s2 =	ssub.s32 s2, s9;
	s10 =	sand.u32 $0x70, s10;
	s9 =	sadd.s32 s3, s4  }
0xe: {  	s10 =	sadd.s32 s0, s10;
	s11 =	smax.u32 s2, $0x1;
	s17 =	sadd.s32 $0xC300, s9  }
.LBB2_1:
0xf: {  	s0 =	rddreg [dreg:$0x2]  }
0x10: {  	[tilespmem:s12], [sflag:$0x5] =	stream.linear.gather [hbm4b:s0+s6], $0x380, $0x38;
	[tilespmem:$0x1CA80] =	vst v63  }
0x11: {  	_ =	swait.ge [sflag:s13], $0x380  }
0x12: {  	s4 =	sadd.s32 $0x0, s1;
	s2 =	simm.s32 $0x100;
	[sflag:s13] =	ssyncset.done $0x0  }
0x13: {  	s24 =	simm.s32 $0x0;
	s0 =	simm.s32 $0x80;
	[sflag:s13] =	ssyncadd.s32 $0xFFFFFC80  }
0x14: {  	[tilespmem:s16], [sflag:$0x1] =	stream.strided.gather [hbm4b:s9+s14], $0xC300, s15, s14, $0x38;
	[tilespmem:$0x1CA80] =	vst v63  }
.LBB2_2:
0x15: {  	[tilespmem:s24], [sflag:$0x3] =	stream.linear.gather [hbm4b:s4+s6], $0x80, $0x38;
	[tilespmem:$0x1CA80] =	vst v63  }
0x16: {  	s4 =	smov.u32 s0;
	s24 =	smov.u32 s2;
	p0 =	sne.s32 s0, $0xF80  }
.Ltmp0:
0x17: {  	s0 =	sadd.s32 $0x80, s0;
	(pc) =	sbr.rel @p0 .LBB2_2-.Ltmp0, $2  }
0x18: {  	_ =	sdelay $0x2  }
0x19: {  	s2 =	sadd.s32 $0x100, s2;
	s4 =	sadd.s32 s4, s1  }
0x1a: {  	[tilespmem:s24], [sflag:$0x3] =	stream.linear.gather [hbm4b:s4+s6], $0x80, $0x38;
	[tilespmem:$0x1CA80] =	vst v63  }
0x1b: {  	s24 =	simm.s32 $0x0;
	p0 =	por $0x0, $0x0  }
0x1c: {  	[tilespmem:s18], [sflag:$0x2] =	stream.strided.gather [hbm4b:s17+s14], $0xC400, s15, s14, $0x38;
	[tilespmem:$0x1CA80] =	vst v63  }
.LBB2_5:
0x1d: {  	s28 =	sshll.u32 s24, $0x5  }
0x1e: {  	s0 =	sor.u32 s7, s28  }
0x1f: {  	v0 =	vmov s0;
	_ =	sdelay $0x4  }
0x20: {  	v0 =	vld.idx.msk [tilespmem:v0+s12+$0x0], $0xffff;
	_ =	swait.ge [sflag:s20], $0x1000  }
0x21: {  	p1 =	slt.u32 s24, $0x2;
	[sflag:s20] =	ssyncset.done $0x0  }
0x22: {  	s0 =	simm.s32 @!p1 $0x4;
	[sflag:s20] =	ssyncadd.s32 $0xFFFFF000  }
0x23: {  	_ =	swait.ge @!p1 [sflag:s0], $0x1000  }
0x24: {  	[sflag:s0] =	ssyncset.done @!p1 $0x0  }
0x25: {  	[sflag:s0] =	ssyncadd.s32 @!p1 $0xFFFFF000;
	p1 =	seq.s32 s24, $0x19  }
.Ltmp1:
0x26: {  	_ = 	snop;
	(pc) =	sbr.rel @p1 .LBB2_9-.Ltmp1, $4  }
0x27: {  	_ = 	snop  }
0x28: {  	_ =	swait.ge [sflag:s19], $0xC300  }
0x29: {  	s31 =	sshll.u32 s24, $0x7;
	[sflag:s19] =	ssyncset.done $0x0  }
0x2a: {  	s25 =	sand.u32 $0x80, s31;
	s24 =	sadd.s32 $0x1, s24;
	[sflag:s19] =	ssyncadd.s32 $0xFFFF3D00  }
0x2b: {  	s0 =	sshll.u32 s24, $0x4  }
0x2c: {  	s2 =	sshll.u32 s24, $0x9;
	s0 =	sand.u32 $0x70, s0  }
0x2d: {  	s2 =	sand.u32 $0x7000, s2;
	s4 =	sadd.s32 s1, s0  }
0x2e: {  	s0 =	sxor.u32 $0x80, s25;
	s2 =	sadd.s32 s2, s4  }
0x2f: {  	s26 =	simm.s32 $0x80;
	s29 =	sadd.s32 $0x100, s0;
	s4 =	sadd.s32 $0x0, s2  }
.LBB2_7:
0x30: {  	[tilespmem:s0], [sflag:$0x3] =	stream.linear.gather [hbm4b:s4+s6], $0x80, $0x38;
	[tilespmem:$0x1CA80] =	vst v63  }
0x31: {  	s4 =	smov.u32 s26;
	s0 =	smov.u32 s29;
	p2 =	sne.s32 s26, $0xF80  }
.Ltmp2:
0x32: {  	s26 =	sadd.s32 $0x80, s26;
	(pc) =	sbr.rel @p2 .LBB2_7-.Ltmp2, $2  }
0x33: {  	_ =	sdelay $0x2  }
0x34: {  	s29 =	sadd.s32 $0x100, s29;
	s4 =	sadd.s32 s4, s2  }
0x35: {  	[tilespmem:s0], [sflag:$0x3] =	stream.linear.gather [hbm4b:s4+s6], $0x80, $0x38;
	[tilespmem:$0x1CA80] =	vst v63  }
.LBB2_9:
0x36: {  	s0 =	simm.s32 $0x0  }
0x37: {  	s2 =	sand.u32 $0x70, s0;
	s0 =	sand.u32 $0x1F00, s0  }
0x38: {  	s0 =	sor.u32 s0, s2  }
0x39: {  	s29 =	sor.u32 s25, s0  }
0x3a: {  	v1 =	vld [tilespmem:s29+$0x0];
	_ =	sdelay $0x2  }
0x3b: {  	s4 =	simm.s32 $0x20;
	s2 =	simm.s32 $0x10  }
0x3c: {  	s0 =	sand.u32 $0x70, s2;
	s2 =	sand.u32 $0x1F00, s4  }
0x3d: {  	s0 =	sor.u32 s2, s0;
	vm0 =	vlt.s32 v1, $0xC2FF  }
0x3e: {  	s30 =	sor.u32 s25, s0;
	v3 =	vnsel vm0, $0xC2FF, v1  }
0x3f: {  	v2 =	vld [tilespmem:s30+$0x0]  }
0x40: {  	s0 =	simm.s32 $0x1  }
0x41: {  	s0 =	simm.s32 @!p0 $0x0  }
0x42: {  	s28 =	sor.u32 s5, s28;
	s0 =	sshll.u32 s0, $0x7  }
0x43: {  	s14 =	simm.s32 $0x20;
	s26 =	sor.u32 $0x1A700, s0;
	s0 =	simm.s32 $0x40;
	v3 =	vld.idx.msk [tilespmem:v3+s16+$0x0], $0xffff  }
0x44: {  	s31 =	sand.u32 $0x70, s14;
	s2 =	simm.s32 $0x30;
	s4 =	sand.u32 $0x1F00, s0;
	vm0 =	vlt.s32 v2, $0xC2FF  }
.LBB2_10:
0x45: {  	p2 =	sne.s32 s2, $0xFF0;
	s4 =	sor.u32 s4, s31;
	v4 =	vnsel vm0, $0xC2FF, v2  }
0x46: {  	s4 =	sor.u32 s25, s4  }
0x47: {  	vm0 =	vlt.s32 v1, $0xC300;
	v1 =	vmov v2;
	v2 =	vld [tilespmem:s4+$0x0]  }
.Ltmp3:
0x48: {  	v3 =	vnsel vm0, $0x0, v3;
	(pc) =	sbr.rel @p2 .LBB2_10-.Ltmp3, $4  }
0x49: {  	[tilespmem:s29+$0x1A700] =	vst v3;
	s29 =	smov.u32 s30;
	s30 =	smov.u32 s4  }
0x4a: {  	v3 =	vld.idx.msk [tilespmem:v4+s16+$0x0], $0xffff  }
0x4b: {  	s0 =	sadd.s32 $0x20, s0  }
0x4c: {  	s31 =	sand.u32 $0x70, s2;
	s2 =	sadd.s32 $0x10, s2;
	s4 =	sand.u32 $0x1F00, s0;
	vm0 =	vlt.s32 v2, $0xC2FF  }
0x4d: {  	s0 =	sor.u32 s4, s31  }
0x4e: {  	v4 =	vnsel vm0, $0xC2FF, v2;
	s0 =	sor.u32 s25, s0  }
0x4f: {  	v5 =	vld [tilespmem:s0+$0x0]  }
0x50: {  	vm10 =	vlt.s32 v1, $0xC300  }
0x51: {  	v1 =	vnsel vm10, $0x0, v3  }
0x52: {  	[tilespmem:s29+$0x1A700] =	vst v1  }
0x53: {  	v1 =	vld.idx.msk [tilespmem:v4+s16+$0x0], $0xffff  }
0x54: {  	vm11 =	vlt.s32 v5, $0xC2FF  }
0x55: {  	v3 =	vnsel vm11, $0xC2FF, v5;
	_ =	sdelay $0x1  }
0x56: {  	vm12 =	vlt.s32 v2, $0xC300  }
0x57: {  	v1 =	vnsel vm12, $0x0, v1  }
0x58: {  	s2 =	sshll.u32 @!p1 s24, $0x5;
	[tilespmem:s30+$0x1A700] =	vst v1  }
0x59: {  	s2 =	sor.u32 @!p1 s5, s2;
	v1 =	vld.idx.msk [tilespmem:v3+s16+$0x0], $0xffff  }
0x5a: {  	s2 =	sshrl.u32 @!p1 s2, $0x3  }
0x5b: {  	s2 =	smul.u32 @!p1 $0xC3800, s2;
	_ =	sdelay $0x1  }
0x5c: {  	s2 =	sor.u32 @!p1 s8, s2;
	vm13 =	vlt.s32 v5, $0xC300  }
0x5d: {  	s4 =	simm.s32 @!p1 $0x2000;
	s2 =	sshrl.u32 @!p1 s2, $0x3;
	v1 =	vnsel vm13, $0x0, v1  }
0x5e: {  	s29 =	sadd.s32 @!p1 s3, s2;
	s2 =	simm.s32 @!p1 $0x400;
	[tilespmem:s0+$0x1A700] =	vst v1;
	s0 =	simm.s32 @!p1 $0x80  }
0x5f: {  	[tilespmem:s4], [sflag:$0x1] =	stream.strided.gather @!p1 [hbm4b:s29+s0], $0xC300, s2, s0, $0x38;
	[tilespmem:$0x1CA80] =	vst v63  }
0x60: {  	s4 =	simm.s32 $0x0  }
0x61: {  	_ =	swait.ge [sflag:s21], $0xC400;
	s14 =	sand.u32 $0x70, s4;
	s0 =	sand.u32 $0x1F00, s4  }
0x62: {  	[sflag:s21] =	ssyncset.done $0x0;
	s0 =	sor.u32 s0, s14  }
0x63: {  	[sflag:s21] =	ssyncadd.s32 $0xFFFF3C00;
	s30 =	sor.u32 s25, s0  }
0x64: {  	v2 =	vld [tilespmem:s30+$0x0];
	_ =	sdelay $0x4  }
0x65: {  	v1 =	vadd.s32 $0xFFFF3D00, v2  }
0x66: {  	vm14 =	vgt.s32 v1, $0x0  }
0x67: {  	s2 =	simm.s32 $0x10;
	s4 =	simm.s32 $0x20;
	v1 =	vnsel vm14, $0x0, v1  }
0x68: {  	s0 =	sand.u32 $0x70, s2;
	s2 =	sand.u32 $0x1F00, s4;
	v3 =	vmin.u32 v1, $0xC39F  }
0x69: {  	s0 =	sor.u32 s2, s0  }
0x6a: {  	s31 =	sor.u32 s25, s0  }
0x6b: {  	v1 =	vld [tilespmem:s31+$0x0];
	_ =	sdelay $0x1  }
0x6c: {  	v3 =	vld.idx.msk [tilespmem:v3+s18+$0x0], $0xffff  }
0x6d: {  	v4 =	vld [tilespmem:s30+$0x1A700];
	_ =	sdelay $0x1  }
0x6e: {  	v5 =	vadd.s32 $0xFFFF3D00, v1  }
0x6f: {  	vm1 =	vgt.s32 v2, $0xC2FF;
	vm15 =	vgt.s32 v5, $0x0  }
0x70: {  	v2 =	vnsel vm15, $0x0, v5;
	v3 =	vnsel vm1, $0x0, v3  }
0x71: {  	s14 =	simm.s32 $0x20;
	s0 =	simm.s32 $0x40;
	v2 =	vmin.u32 v2, $0xC39F;
	v3 =	vadd.f32 v3, v4  }
0x72: {  	s4 =	sand.u32 $0x70, s14;
	s2 =	simm.s32 $0x30;
	s14 =	sand.u32 $0x1F00, s0  }
.LBB2_12:
0x73: {  	p2 =	sne.s32 s2, $0xFF0;
	s4 =	sor.u32 s14, s4;
	v3 =	vadd.f32 v3, v0  }
0x74: {  	s4 =	sor.u32 s25, s4  }
0x75: {  	v4 =	vld [tilespmem:s4+$0x0];
	[tilespmem:s30+$0x1A700] =	vst v3;
	s30 =	smov.u32 s31;
	s31 =	smov.u32 s4  }
0x76: {  	v2 =	vld.idx.msk [tilespmem:v2+s18+$0x0], $0xffff;
	_ =	sdelay $0x1  }
0x77: {  	v3 =	vld [tilespmem:s30+$0x1A700];
	_ =	sdelay $0x1  }
.Ltmp4:
0x78: {  	v5 =	vadd.s32 $0xFFFF3D00, v4;
	(pc) =	sbr.rel @p2 .LBB2_12-.Ltmp4, $4  }
0x79: {  	vm1 =	vgt.s32 v1, $0xC2FF;
	v1 =	vmov v4;
	vm0 =	vgt.s32 v5, $0x0  }
0x7a: {  	v4 =	vnsel vm0, $0x0, v5;
	v5 =	vnsel vm1, $0x0, v2  }
0x7b: {  	s0 =	sadd.s32 $0x20, s0;
	v2 =	vmin.u32 v4, $0xC39F;
	v3 =	vadd.f32 v5, v3  }
0x7c: {  	s14 =	sand.u32 $0x1F00, s0;
	s4 =	sand.u32 $0x70, s2;
	s2 =	sadd.s32 $0x10, s2  }
0x7d: {  	s0 =	sor.u32 s14, s4  }
0x7e: {  	v3 =	vadd.f32 v3, v0;
	s0 =	sor.u32 s25, s0  }
0x7f: {  	v4 =	vld [tilespmem:s0+$0x0]  }
0x80: {  	[tilespmem:s30+$0x1A700] =	vst v3  }
0x81: {  	v2 =	vld.idx.msk [tilespmem:v2+s18+$0x0], $0xffff  }
0x82: {  	v3 =	vld [tilespmem:s31+$0x1A700];
	_ =	sdelay $0x1  }
0x83: {  	v5 =	vadd.s32 $0xFFFF3D00, v4  }
0x84: {  	vm1 =	vgt.s32 v1, $0xC2FF;
	vm0 =	vgt.s32 v5, $0x0  }
0x85: {  	v2 =	vnsel vm1, $0x0, v2;
	v62 =	vnsel vm0, $0x0, v5  }
0x86: {  	v2 =	vadd.f32 v2, v3;
	v1 =	vmin.u32 v62, $0xC39F;
	_ =	sdelay $0x1  }
0x87: {  	v2 =	vadd.f32 v2, v0;
	_ =	sdelay $0x1  }
0x88: {  	[tilespmem:s31+$0x1A700] =	vst v2  }
0x89: {  	v1 =	vld.idx.msk [tilespmem:v1+s18+$0x0], $0xffff  }
0x8a: {  	v2 =	vld [tilespmem:s0+$0x1A700];
	_ =	sdelay $0x2  }
0x8b: {  	vm15 =	vgt.s32 v4, $0xC2FF  }
0x8c: {  	v1 =	vnsel vm15, $0x0, v1  }
0x8d: {  	v1 =	vadd.f32 v1, v2;
	_ =	sdelay $0x1  }
0x8e: {  	v63 =	vadd.f32 v1, v0  }
0x8f: {  	s2 =	sadd.s32 @!p1 $0xC300, s29;
	s4 =	simm.s32 @!p1 $0x400  }
0x90: {  	s14 =	simm.s32 @!p1 $0xE300;
	s31 =	sshll.u32 s28, $0x9;
	[tilespmem:s0+$0x1A700] =	vst v63;
	s0 =	simm.s32 @!p1 $0x80  }
0x91: {  	[tilespmem:s14], [sflag:$0x2] =	stream.strided.gather @!p1 [hbm4b:s2+s0], $0xC400, s4, s0, $0x38;
	[tilespmem:$0x1CA80] =	vst v63  }
0x92: {  	s0 =	sand.u32 $0x7F000, s31  }
0x93: {  	s0 =	sadd.s32 s0, s10  }
0x94: {  	s25 =	sadd.s32 $0x100, s26;
	s2 =	simm.s32 $0x80;
	s4 =	sadd.s32 $0x0, s0  }
.LBB2_14:
0x95: {  	[hbm4b:s4+s6] =	stream.linear.scatter [tilespmem:s26], [sflag:$0x4], $0x80, $0x38;
	[tilespmem:$0x1CA80] =	vst v63  }
0x96: {  	s4 =	smov.u32 s2;
	s26 =	smov.u32 s25;
	p1 =	seq.s32 s2, $0xF80  }
.Ltmp5:
0x97: {  	s2 =	sadd.s32 $0x80, s2;
	(pc) =	sbr.rel @!p1 .LBB2_14-.Ltmp5, $2  }
0x98: {  	_ =	sdelay $0x2  }
0x99: {  	s25 =	sadd.s32 $0x100, s25;
	s4 =	sadd.s32 s4, s0  }
0x9a: {  	[hbm4b:s4+s6] =	stream.linear.scatter [tilespmem:s26], [sflag:$0x4], $0x80, $0x38;
	[tilespmem:$0x1CA80] =	vst v63  }
0x9b: {  	p1 =	seq.s32 s24, $0x1A  }
.Ltmp6:
0x9c: {  	_ = 	snop;
	(pc) =	sbr.rel @!p1 .LBB2_5-.Ltmp6, $2  }
0x9d: {  	_ =	sdelay $0x2  }
0x9e: {  	p0 =	por !p0, !p0  }
0x9f: {  	s23 =	sadd.s32 $0x1, s23  }
0xa0: {  	_ =	swait.ge [sflag:s22], $0x1000;
	p0 =	sne.s32 s23, s11  }
.Ltmp7:
0xa1: {  	[sflag:s22] =	ssyncset.done $0x0;
	(pc) =	sbr.rel @p0 .LBB2_1-.Ltmp7, $4  }
0xa2: {  	[sflag:s22] =	ssyncadd.s32 $0xFFFFF000  }
0xa3: {  	_ =	swait.ge [sflag:s22], $0x1000  }
0xa4: {  	[sflag:s22] =	ssyncset.done $0x0  }
0xa5: {  	s14 =	simm.s32 $0x80;
	[sflag:s22] =	ssyncadd.s32 $0xFFFFF000  }
0xa6: {  	_ =	sfence.sel $0x180000  }
0xa7: {  	[bflag:$0x0] =	sbarrier.arrive $0xFFFF  }
0xa8: {  	_ =	strace $0x90000047  }
0xa9: {  	s0 =	stileid.u32;
	[bflag:$0x2] =	sbarrier.arrive $0xFFFF  }
0xaa: {  	p0 =	sne.s32 s0, $0x0;
	s0 =	rddreg [dreg:$0x4]  }
0xab: {  	s0 =	sadd.s32 @!p0 $0x100000, s0  }
0xac: {  	[sflag:s0] =	ssyncadd.tile.s32 @!p0 $0x1;
	_ =	shalt  }
.Lfunc_end2:
_tile_overlayer_lowered:
.L_overlay_start_2:
0xad: {  	(tag) =	ssettag $0x2  }
0xae: {  	s0 =	rddreg [dreg:$0x0];
	s2 =	stileid.u32  }
0xaf: {  	s1 =	rddreg [dreg:$0x1];
	p0 =	sne.s32 s2, $0x0  }
0xb0: {  	s3 =	rddreg [dreg:$0x2];
	[bflag:$0x3] =	sbarrier.arrive $0xFFFF;
	s2 =	simm.s32 @!p0 $0x1C05  }
0xb1: {  	[timem:s3], [sflag:s2] =	dma.local @!p0 [hbm:s0], s1  }
0xb2: {  	s0 =	simm.s32 @!p0 $0x5  }
0xb3: {  	_ =	swait.ge @!p0 [sflag:s0], s1  }
0xb4: {  	s1 =	ssub.s32 @!p0 $0x0, s1;
	[sflag:s0] =	ssyncset.done @!p0 $0x0  }
0xb5: {  	[sflag:s0] =	ssyncadd.s32 @!p0 s1  }
0xb6: {  	[bflag:$0x3] =	sbarrier.arrive $0xFFFF  }
0xb7: {  	_ =	shalt  }

</sc_bundles>
